<compile_context>
chip_gen: v7x
topology: tpu7x:2x2x1
jax: 0.10.2.dev20260603
libtpu: 0.0.44.dev20260713+nightly
codegen_flags: <defaults>
</compile_context>

<pallas_src>
import functools

import jax
from jax import lax
import jax.numpy as jnp
from jax.experimental import pallas as pl
from jax.experimental.pallas import tpu as pltpu
from jax.experimental.pallas import tpu_sc as plsc

_WINDOW = 128
_K = 2
_ROW = 128


def _gather_sc(idx3d, di, n):
    steps = n // (_K * _WINDOW)
    mesh = plsc.VectorSubcoreMesh(core_axis_name="c", subcore_axis_name="s")

    @functools.partial(
        pl.kernel,
        out_type=jax.ShapeDtypeStruct((n, _ROW), di.dtype),
        mesh=mesh,
        scratch_types=[
            pltpu.VMEM_SHARED((_ROW, _ROW), di.dtype),
            pltpu.SemaphoreType.DMA,
        ],
    )
    def run(table_hbm, i_hbm, o_hbm, table_shared, sem):
        @pl.when(lax.axis_index("s") == 0)
        def _():
            pltpu.sync_copy(table_hbm, table_shared)

        plsc.subcore_barrier()

        def body(i_vmem, o_vmem):
            cps = [
                pltpu.async_copy(
                    table_shared.at[i_vmem.at[0, j]],
                    o_vmem.at[pl.ds(j * _WINDOW, _WINDOW)],
                    sem,
                )
                for j in range(_K)
            ]
            for cp in cps:
                cp.wait()

        pltpu.emit_pipeline(
            body,
            grid=(steps,),
            in_specs=[pl.BlockSpec((1, _K, _WINDOW), lambda i: (i, 0, 0))],
            out_specs=[pl.BlockSpec((_K * _WINDOW, _ROW), lambda i: (i, 0))],
            core_axis_name=("c", "s"),
            dimension_semantics=(pltpu.PARALLEL,),
        )(i_hbm, o_hbm)

    return run(di, idx3d)


def kernel(x, di):
    b, t = x.shape
    n = b * t
    idx3d = x.reshape(n // (_K * _WINDOW), _K, _WINDOW)
    out = _gather_sc(idx3d, di, n)
    return out.reshape(b, t, di.shape[1])

# --- scband reference (transcript-rebuilt; emitter-appended) ---
"""Pipeline reference for scband-hadamard-transform-38929583571141 (READ-ONLY COPY).

The authoritative reference and input builder live on the scoring server;
editing this copy changes nothing except your own understanding.
"""

import jax, jax.numpy as jnp
import numpy as np


def _make_hadamard(n):
    # Sylvester construction of an n x n Hadamard matrix (n must be a power of 2).
    H = np.array([[1.0]], dtype=np.float32)
    base = np.array([[1.0, 1.0], [1.0, -1.0]], dtype=np.float32)
    while H.shape[0] < n:
        H = np.kron(H, base).astype(np.float32)
    return H


def setup_inputs(seed: int = 0) -> dict:
    key = jax.random.key(seed)
    vrange = 128
    padded = 2 ** int(np.ceil(np.log2(vrange)))  # 128
    # stand-in for the pickled Hadamard coding file 'had_128.pkl'
    infile = jnp.asarray(_make_hadamard(padded))
    di = jnp.transpose(infile, (1, 0))
    k1, _ = jax.random.split(key)
    x = jax.random.randint(k1, (4096, 200), 0, vrange, dtype=jnp.int32)
    return {"x": x, "di": di}


def reference(x, di):
    # forward: a = self.di[x]  -- pure embedding-style row gather into the
    # (transposed) Hadamard code table. The zeros init in the original code is
    # dead (immediately overwritten), so it is omitted.
    a = jnp.take(di, x, axis=0)
    return a

if __name__ == "__main__":
    import jax
    _d = setup_inputs()
    print(jax.jit(kernel)(*tuple(_d.values())))

</pallas_src>

<mosaic_0001>
#map = affine_map<(d0, d1) -> (0, 0)>
#map1 = affine_map<(d0, d1) -> (0, 0, 0)>
module attributes {stable_mosaic.version = 14 : i64} {
  func.func @run(%arg0: i32, %arg1: i32, %arg2: memref<128x128xf32, #tpu.memory_space<hbm>>, %arg3: memref<3200x2x128xi32, #tpu.memory_space<hbm>>, %arg4: memref<819200x128xf32, #tpu.memory_space<hbm>>, %arg5: memref<128x128xf32, #tpu.memory_space<vmem_shared>>, %arg6: memref<!tpu.dma_semaphore, #tpu.memory_space<semaphore_mem>>) attributes {dimension_semantics = [#tpu.dimension_semantics<core_parallel>, #tpu.dimension_semantics<subcore_parallel>], iteration_bounds = array<i64: 2, 16>, scalar_prefetch = 0 : i64, scratch_operands = 2 : i64, tpu.core_type = #tpu.core_type<sc_vector_subcore>, window_params = [{transform_indices = #map}, {transform_indices = #map1}, {transform_indices = #map}]} {
    %eq3A = arith.constant 0 : i32
    %eq3A_0 = arith.cmpi eq, %arg1, %eq3A : i32
    %convert_element_type3A = arith.extui %eq3A_0 : i1 to i32
    %cond3A = arith.constant 0 : i32
    %cond3A_1 = arith.cmpi ne, %convert_element_type3A, %cond3A : i32
    scf.if %cond3A_1 {
      "tpu.region"() ({
        %run_scoped3A = tpu.sem_alloc : memref<!tpu.dma_semaphore, #tpu.memory_space<semaphore_mem>>
        tpu.enqueue_dma source(%arg2 : memref<128x128xf32, #tpu.memory_space<hbm>>) target(%arg5 : memref<128x128xf32, #tpu.memory_space<vmem_shared>>) target_semaphore(%run_scoped3A : memref<!tpu.dma_semaphore, #tpu.memory_space<semaphore_mem>>)
        tpu.wait_dma2 semaphore(%run_scoped3A : memref<!tpu.dma_semaphore, #tpu.memory_space<semaphore_mem>>) src(%arg2 : memref<128x128xf32, #tpu.memory_space<hbm>>) dst(%arg5 : memref<128x128xf32, #tpu.memory_space<vmem_shared>>)
        tpu.yield
      }) : () -> ()
    } else {
    }
    %barrier3A = arith.constant 0 : index
    tpu.barrier barrier_id(%barrier3A)
    %mul3A = arith.constant 1 : i32
    %mul3A_2 = arith.muli %arg1, %mul3A : i32
    %add3A = arith.constant 0 : i32
    %add3A_3 = arith.addi %add3A, %mul3A_2 : i32
    %mul3A_4 = arith.constant 16 : i32
    %mul3A_5 = arith.muli %arg0, %mul3A_4 : i32
    %add3A_6 = arith.addi %add3A_3, %mul3A_5 : i32
    %mul3A_7 = arith.constant 100 : i32
    %mul3A_8 = arith.muli %add3A_6, %mul3A_7 : i32
    "tpu.region"() ({
      %run_scoped3A = memref.alloca() : memref<2x1x2x128xi32, #tpu.memory_space<vmem>>
      %run_scoped3A_9 = tpu.sem_alloc : memref<2x!tpu.dma_semaphore, #tpu.memory_space<semaphore_mem>>
      %run_scoped3A_10 = memref.alloca() : memref<2x256x128xf32, #tpu.memory_space<vmem>>
      %run_scoped3A_11 = tpu.sem_alloc : memref<2x!tpu.dma_semaphore, #tpu.memory_space<semaphore_mem>>
      %add3A_12 = arith.constant 0 : i32
      %add3A_13 = arith.addi %add3A_12, %mul3A_8 : i32
      %select_n3A = arith.constant true
      %select_n3A_14 = arith.constant 0 : i32
      %select_n3A_15 = arith.constant -1 : i32
      %select_n3A_16 = arith.select %select_n3A, %select_n3A_15, %select_n3A_14 : i32
      %eq3A_17 = arith.constant -1 : i32
      %eq3A_18 = arith.cmpi eq, %select_n3A_16, %eq3A_17 : i32
      %select_n3A_19 = arith.constant 99 : i32
      %select_n3A_20 = arith.select %eq3A_18, %select_n3A_19, %select_n3A_16 : i32
      %add3A_21 = arith.addi %select_n3A_20, %mul3A_8 : i32
      %select_n3A_22 = arith.constant true
      %select_n3A_23 = arith.constant 0 : i32
      %select_n3A_24 = arith.constant 1 : i32
      %select_n3A_25 = arith.select %select_n3A_22, %select_n3A_24, %select_n3A_23 : i32
      %eq3A_26 = arith.constant 100 : i32
      %eq3A_27 = arith.cmpi eq, %select_n3A_25, %eq3A_26 : i32
      %select_n3A_28 = arith.constant 0 : i32
      %select_n3A_29 = arith.select %eq3A_27, %select_n3A_28, %select_n3A_25 : i32
      %add3A_30 = arith.addi %select_n3A_29, %mul3A_8 : i32
      %add3A_31 = arith.constant 1 : i32
      %add3A_32 = arith.addi %select_n3A_29, %add3A_31 : i32
      %select_n3A_33 = arith.constant true
      %select_n3A_34 = arith.select %select_n3A_33, %add3A_32, %select_n3A_29 : i32
      %eq3A_35 = arith.constant 100 : i32
      %eq3A_36 = arith.cmpi eq, %select_n3A_34, %eq3A_35 : i32
      %select_n3A_37 = arith.constant 0 : i32
      %select_n3A_38 = arith.select %eq3A_36, %select_n3A_37, %select_n3A_34 : i32
      %add3A_39 = arith.addi %select_n3A_38, %mul3A_8 : i32
      "tpu.trace_start"() <{level = 10 : i32, message = "ep_initialize_0"}> : () -> ()
      %rem3A = arith.constant 0 : i32
      %rem3A_40 = arith.constant 2 : i32
      %rem3A_41 = arith.remui %rem3A, %rem3A_40 : i32
      %mul3A_42 = arith.constant 1 : i32
      %mul3A_43 = arith.muli %mul3A_42, %add3A_13 : i32
      %dma_start3A = arith.constant 0 : i32
      %dma_start3A_44 = arith.constant 0 : i32
      %dma_start3A_45 = arith.constant 0 : i32
      %dma_start3A_46 = tpu.memref_slice %run_scoped3A[%rem3A_41, %dma_start3A, %dma_start3A_44, %dma_start3A_45] : memref<2x1x2x128xi32, #tpu.memory_space<vmem>> -> memref<1x1x2x128xi32, #tpu.memory_space<vmem>>
      %dma_start3A_47 = tpu.memref_squeeze %dma_start3A_46 : memref<1x1x2x128xi32, #tpu.memory_space<vmem>> -> memref<1x2x128xi32, #tpu.memory_space<vmem>>
      %dma_start3A_48 = arith.constant 0 : i32
      %dma_start3A_49 = arith.constant 0 : i32
      %dma_start3A_50 = tpu.memref_slice %arg3[%mul3A_43, %dma_start3A_48, %dma_start3A_49] : memref<3200x2x128xi32, #tpu.memory_space<hbm>> -> memref<1x2x128xi32, #tpu.memory_space<hbm>>
      %dma_start3A_51 = tpu.memref_slice %run_scoped3A_9[%rem3A_41] : memref<2x!tpu.dma_semaphore, #tpu.memory_space<semaphore_mem>> -> memref<1x!tpu.dma_semaphore, #tpu.memory_space<semaphore_mem>>
      %dma_start3A_52 = tpu.memref_squeeze %dma_start3A_51 : memref<1x!tpu.dma_semaphore, #tpu.memory_space<semaphore_mem>> -> memref<!tpu.dma_semaphore, #tpu.memory_space<semaphore_mem>>
      %dma_start3A_53 = arith.constant 0 : i32
      %dma_start3A_54 = arith.constant 0 : i32
      %dma_start3A_55 = arith.constant 0 : i32
      %dma_start3A_56 = tpu.memref_slice %run_scoped3A[%rem3A_41, %dma_start3A_53, %dma_start3A_54, %dma_start3A_55] : memref<2x1x2x128xi32, #tpu.memory_space<vmem>> -> memref<1x1x2x128xi32, #tpu.memory_space<vmem>>
      %dma_start3A_57 = tpu.memref_squeeze %dma_start3A_56 : memref<1x1x2x128xi32, #tpu.memory_space<vmem>> -> memref<1x2x128xi32, #tpu.memory_space<vmem>>
      %dma_start3A_58 = arith.constant 0 : i32
      %dma_start3A_59 = arith.constant 0 : i32
      %dma_start3A_60 = tpu.memref_slice %arg3[%mul3A_43, %dma_start3A_58, %dma_start3A_59] : memref<3200x2x128xi32, #tpu.memory_space<hbm>> -> memref<1x2x128xi32, #tpu.memory_space<hbm>>
      tpu.enqueue_dma source(%dma_start3A_60 : memref<1x2x128xi32, #tpu.memory_space<hbm>>) target(%dma_start3A_57 : memref<1x2x128xi32, #tpu.memory_space<vmem>>) target_semaphore(%dma_start3A_52 : memref<!tpu.dma_semaphore, #tpu.memory_space<semaphore_mem>>)
      %add3A_61 = arith.constant 0 : i32
      %add3A_62 = arith.constant 1 : i32
      %add3A_63 = arith.addi %add3A_61, %add3A_62 : i32
      %select_n3A_64 = arith.constant true
      %select_n3A_65 = arith.constant 0 : i32
      %select_n3A_66 = arith.select %select_n3A_64, %add3A_63, %select_n3A_65 : i32
      "tpu.trace_stop"() : () -> ()
      %scan3A = arith.constant 0 : i32
      %scan3A_67 = arith.constant 0 : i32
      %scan3A_68 = arith.constant 0 : i32
      %scan3A_69 = arith.constant 0 : i32
      %scan3A_70 = arith.constant 0 : i32
      %scan3A_71 = arith.constant 100 : i32
      %scan3A_72 = arith.addi %scan3A_70, %scan3A_71 : i32
      %scan3A_73 = arith.constant 1 : i32
      %scan3A_74:5 = scf.for %scan3A_128 = %scan3A_70 to %scan3A_72 step %scan3A_73 iter_args(%scan3A_129 = %select_n3A_66, %scan3A_130 = %scan3A, %scan3A_131 = %scan3A_67, %scan3A_132 = %scan3A_68, %scan3A_133 = %scan3A_69) -> (i32, i32, i32, i32, i32)  : i32 {
        %eq3A_134 = arith.constant 0 : i32
        %eq3A_135 = arith.cmpi eq, %scan3A_128, %eq3A_134 : i32
        %eq3A_136 = arith.constant 99 : i32
        %eq3A_137 = arith.cmpi eq, %scan3A_128, %eq3A_136 : i32
        %add3A_138 = arith.addi %scan3A_133, %mul3A_8 : i32
        %sub3A_139 = arith.constant 1 : i32
        %sub3A_140 = arith.subi %scan3A_133, %sub3A_139 : i32
        %select_n3A_141 = arith.constant true
        %select_n3A_142 = arith.select %select_n3A_141, %sub3A_140, %scan3A_133 : i32
        %eq3A_143 = arith.constant -1 : i32
        %eq3A_144 = arith.cmpi eq, %select_n3A_142, %eq3A_143 : i32
        %select_n3A_145 = arith.constant 99 : i32
        %select_n3A_146 = arith.select %eq3A_144, %select_n3A_145, %select_n3A_142 : i32
        %add3A_147 = arith.addi %select_n3A_146, %mul3A_8 : i32
        %add3A_148 = arith.constant 1 : i32
        %add3A_149 = arith.addi %scan3A_133, %add3A_148 : i32
        %select_n3A_150 = arith.constant true
        %select_n3A_151 = arith.select %select_n3A_150, %add3A_149, %scan3A_133 : i32
        %eq3A_152 = arith.constant 100 : i32
        %eq3A_153 = arith.cmpi eq, %select_n3A_151, %eq3A_152 : i32
        %select_n3A_154 = arith.constant 0 : i32
        %select_n3A_155 = arith.select %eq3A_153, %select_n3A_154, %select_n3A_151 : i32
        %add3A_156 = arith.addi %select_n3A_155, %mul3A_8 : i32
        %add3A_157 = arith.constant 1 : i32
        %add3A_158 = arith.addi %select_n3A_155, %add3A_157 : i32
        %select_n3A_159 = arith.constant true
        %select_n3A_160 = arith.select %select_n3A_159, %add3A_158, %select_n3A_155 : i32
        %eq3A_161 = arith.constant 100 : i32
        %eq3A_162 = arith.cmpi eq, %select_n3A_160, %eq3A_161 : i32
        %select_n3A_163 = arith.constant 0 : i32
        %select_n3A_164 = arith.select %eq3A_162, %select_n3A_163, %select_n3A_160 : i32
        %add3A_165 = arith.addi %select_n3A_164, %mul3A_8 : i32
        %ne3A = arith.cmpi ne, %add3A_138, %add3A_156 : i32
        %or3A = arith.constant false
        %or3A_166 = arith.ori %or3A, %ne3A : i1
        %or3A_167 = arith.constant false
        %or3A_168 = arith.ori %or3A_166, %or3A_167 : i1
        %or3A_169 = arith.constant false
        %or3A_170 = arith.ori %or3A_168, %or3A_169 : i1
        %ge3A = arith.constant 99 : i32
        %ge3A_171 = arith.cmpi sge, %scan3A_128, %ge3A : i32
        %not3A = arith.constant true
        %not3A_172 = arith.xori %ge3A_171, %not3A : i1
        %and3A = arith.andi %or3A_170, %not3A_172 : i1
        %convert_element_type3A_173 = arith.extui %and3A : i1 to i32
        %cond3A_174 = arith.constant 0 : i32
        %cond3A_175 = arith.cmpi ne, %convert_element_type3A_173, %cond3A_174 : i32
        scf.if %cond3A_175 {
          "tpu.trace_start"() <{level = 10 : i32, message = "ep_copy_in"}> : () -> ()
          %rem3A_372 = arith.constant 2 : i32
          %rem3A_373 = arith.remui %scan3A_129, %rem3A_372 : i32
          %mul3A_374 = arith.constant 1 : i32
          %mul3A_375 = arith.muli %mul3A_374, %add3A_156 : i32
          %dma_start3A_376 = arith.constant 0 : i32
          %dma_start3A_377 = arith.constant 0 : i32
          %dma_start3A_378 = arith.constant 0 : i32
          %dma_start3A_379 = tpu.memref_slice %run_scoped3A[%rem3A_373, %dma_start3A_376, %dma_start3A_377, %dma_start3A_378] : memref<2x1x2x128xi32, #tpu.memory_space<vmem>> -> memref<1x1x2x128xi32, #tpu.memory_space<vmem>>
          %dma_start3A_380 = tpu.memref_squeeze %dma_start3A_379 : memref<1x1x2x128xi32, #tpu.memory_space<vmem>> -> memref<1x2x128xi32, #tpu.memory_space<vmem>>
          %dma_start3A_381 = arith.constant 0 : i32
          %dma_start3A_382 = arith.constant 0 : i32
          %dma_start3A_383 = tpu.memref_slice %arg3[%mul3A_375, %dma_start3A_381, %dma_start3A_382] : memref<3200x2x128xi32, #tpu.memory_space<hbm>> -> memref<1x2x128xi32, #tpu.memory_space<hbm>>
          %dma_start3A_384 = tpu.memref_slice %run_scoped3A_9[%rem3A_373] : memref<2x!tpu.dma_semaphore, #tpu.memory_space<semaphore_mem>> -> memref<1x!tpu.dma_semaphore, #tpu.memory_space<semaphore_mem>>
          %dma_start3A_385 = tpu.memref_squeeze %dma_start3A_384 : memref<1x!tpu.dma_semaphore, #tpu.memory_space<semaphore_mem>> -> memref<!tpu.dma_semaphore, #tpu.memory_space<semaphore_mem>>
          %dma_start3A_386 = arith.constant 0 : i32
          %dma_start3A_387 = arith.constant 0 : i32
          %dma_start3A_388 = arith.constant 0 : i32
          %dma_start3A_389 = tpu.memref_slice %run_scoped3A[%rem3A_373, %dma_start3A_386, %dma_start3A_387, %dma_start3A_388] : memref<2x1x2x128xi32, #tpu.memory_space<vmem>> -> memref<1x1x2x128xi32, #tpu.memory_space<vmem>>
          %dma_start3A_390 = tpu.memref_squeeze %dma_start3A_389 : memref<1x1x2x128xi32, #tpu.memory_space<vmem>> -> memref<1x2x128xi32, #tpu.memory_space<vmem>>
          %dma_start3A_391 = arith.constant 0 : i32
          %dma_start3A_392 = arith.constant 0 : i32
          %dma_start3A_393 = tpu.memref_slice %arg3[%mul3A_375, %dma_start3A_391, %dma_start3A_392] : memref<3200x2x128xi32, #tpu.memory_space<hbm>> -> memref<1x2x128xi32, #tpu.memory_space<hbm>>
          tpu.enqueue_dma source(%dma_start3A_393 : memref<1x2x128xi32, #tpu.memory_space<hbm>>) target(%dma_start3A_390 : memref<1x2x128xi32, #tpu.memory_space<vmem>>) target_semaphore(%dma_start3A_385 : memref<!tpu.dma_semaphore, #tpu.memory_space<semaphore_mem>>)
          "tpu.trace_stop"() : () -> ()
        } else {
        }
        %and3A_176 = arith.constant true
        %and3A_177 = arith.andi %and3A, %and3A_176 : i1
        %add3A_178 = arith.constant 1 : i32
        %add3A_179 = arith.addi %scan3A_129, %add3A_178 : i32
        %select_n3A_180 = arith.select %and3A_177, %add3A_179, %scan3A_129 : i32
        %ne3A_181 = arith.cmpi ne, %add3A_138, %add3A_156 : i32
        %or3A_182 = arith.constant false
        %or3A_183 = arith.ori %or3A_182, %ne3A_181 : i1
        %or3A_184 = arith.constant false
        %or3A_185 = arith.ori %or3A_183, %or3A_184 : i1
        %ge3A_186 = arith.constant 99 : i32
        %ge3A_187 = arith.cmpi sge, %scan3A_128, %ge3A_186 : i32
        %not3A_188 = arith.constant true
        %not3A_189 = arith.xori %ge3A_187, %not3A_188 : i1
        %and3A_190 = arith.andi %or3A_185, %not3A_189 : i1
        %ne3A_191 = arith.cmpi ne, %add3A_138, %add3A_147 : i32
        %or3A_192 = arith.constant false
        %or3A_193 = arith.ori %or3A_192, %ne3A_191 : i1
        %or3A_194 = arith.constant false
        %or3A_195 = arith.ori %or3A_193, %or3A_194 : i1
        %or3A_196 = arith.constant false
        %or3A_197 = arith.ori %or3A_195, %or3A_196 : i1
        %or3A_198 = arith.ori %or3A_197, %eq3A_135 : i1
        %convert_element_type3A_199 = arith.extui %or3A_198 : i1 to i32
        %cond3A_200 = arith.constant 0 : i32
        %cond3A_201 = arith.cmpi ne, %convert_element_type3A_199, %cond3A_200 : i32
        scf.if %cond3A_201 {
          "tpu.trace_start"() <{level = 10 : i32, message = "ep_wait_in"}> : () -> ()
          %mul3A_372 = arith.constant 1 : i32
          %mul3A_373 = arith.muli %mul3A_372, %add3A_138 : i32
          %rem3A_374 = arith.constant 2 : i32
          %rem3A_375 = arith.remui %scan3A_130, %rem3A_374 : i32
          %dma_wait3A_376 = arith.constant 0 : i32
          %dma_wait3A_377 = arith.constant 0 : i32
          %dma_wait3A_378 = arith.constant 0 : i32
          %dma_wait3A_379 = tpu.memref_slice %run_scoped3A[%rem3A_375, %dma_wait3A_376, %dma_wait3A_377, %dma_wait3A_378] : memref<2x1x2x128xi32, #tpu.memory_space<vmem>> -> memref<1x1x2x128xi32, #tpu.memory_space<vmem>>
          %dma_wait3A_380 = tpu.memref_squeeze %dma_wait3A_379 : memref<1x1x2x128xi32, #tpu.memory_space<vmem>> -> memref<1x2x128xi32, #tpu.memory_space<vmem>>
          %dma_wait3A_381 = arith.constant 0 : i32
          %dma_wait3A_382 = arith.constant 0 : i32
          %dma_wait3A_383 = tpu.memref_slice %arg3[%mul3A_373, %dma_wait3A_381, %dma_wait3A_382] : memref<3200x2x128xi32, #tpu.memory_space<hbm>> -> memref<1x2x128xi32, #tpu.memory_space<hbm>>
          %dma_wait3A_384 = tpu.memref_slice %run_scoped3A_9[%rem3A_375] : memref<2x!tpu.dma_semaphore, #tpu.memory_space<semaphore_mem>> -> memref<1x!tpu.dma_semaphore, #tpu.memory_space<semaphore_mem>>
          %dma_wait3A_385 = tpu.memref_squeeze %dma_wait3A_384 : memref<1x!tpu.dma_semaphore, #tpu.memory_space<semaphore_mem>> -> memref<!tpu.dma_semaphore, #tpu.memory_space<semaphore_mem>>
          %dma_wait3A_386 = arith.constant 0 : i32
          %dma_wait3A_387 = arith.constant 0 : i32
          %dma_wait3A_388 = arith.constant 0 : i32
          %dma_wait3A_389 = tpu.memref_slice %run_scoped3A[%rem3A_375, %dma_wait3A_386, %dma_wait3A_387, %dma_wait3A_388] : memref<2x1x2x128xi32, #tpu.memory_space<vmem>> -> memref<1x1x2x128xi32, #tpu.memory_space<vmem>>
          %dma_wait3A_390 = tpu.memref_squeeze %dma_wait3A_389 : memref<1x1x2x128xi32, #tpu.memory_space<vmem>> -> memref<1x2x128xi32, #tpu.memory_space<vmem>>
          %dma_wait3A_391 = arith.constant 0 : i32
          %dma_wait3A_392 = arith.constant 0 : i32
          %dma_wait3A_393 = tpu.memref_slice %arg3[%mul3A_373, %dma_wait3A_391, %dma_wait3A_392] : memref<3200x2x128xi32, #tpu.memory_space<hbm>> -> memref<1x2x128xi32, #tpu.memory_space<hbm>>
          tpu.wait_dma2 semaphore(%dma_wait3A_385 : memref<!tpu.dma_semaphore, #tpu.memory_space<semaphore_mem>>) src(%dma_wait3A_393 : memref<1x2x128xi32, #tpu.memory_space<hbm>>) dst(%dma_wait3A_390 : memref<1x2x128xi32, #tpu.memory_space<vmem>>)
          "tpu.trace_stop"() : () -> ()
        } else {
        }
        %ne3A_202 = arith.cmpi ne, %add3A_138, %add3A_147 : i32
        %or3A_203 = arith.constant false
        %or3A_204 = arith.ori %or3A_203, %ne3A_202 : i1
        %or3A_205 = arith.constant false
        %or3A_206 = arith.ori %or3A_204, %or3A_205 : i1
        %or3A_207 = arith.ori %or3A_206, %eq3A_135 : i1
        %convert_element_type3A_208 = arith.extui %or3A_207 : i1 to i32
        %cond3A_209 = arith.constant 0 : i32
        %cond3A_210 = arith.cmpi ne, %convert_element_type3A_208, %cond3A_209 : i32
        scf.if %cond3A_210 {
        } else {
        }
        %rem3A_211 = arith.constant 2 : i32
        %rem3A_212 = arith.remui %scan3A_130, %rem3A_211 : i32
        %rem3A_213 = arith.constant 2 : i32
        %rem3A_214 = arith.remui %scan3A_131, %rem3A_213 : i32
        %dma_start3A_215 = arith.constant 0 : i32
        %dma_start3A_216 = arith.constant 0 : i32
        "tpu.trace_start"() <{level = 10 : i32, message = "ep_run_kernel"}> : () -> ()
        %dma_start3A_217 = arith.constant 0 : i32
        %dma_start3A_218 = arith.constant 0 : i32
        %dma_start3A_219 = tpu.memref_slice %run_scoped3A_10[%rem3A_214, %dma_start3A_217, %dma_start3A_218] : memref<2x256x128xf32, #tpu.memory_space<vmem>> -> memref<1x256x128xf32, #tpu.memory_space<vmem>>
        %dma_start3A_220 = tpu.memref_squeeze %dma_start3A_219 : memref<1x256x128xf32, #tpu.memory_space<vmem>> -> memref<256x128xf32, #tpu.memory_space<vmem>>
        %dma_start3A_221 = arith.constant 0 : i32
        %dma_start3A_222 = arith.constant 0 : i32
        %dma_start3A_223 = tpu.memref_slice %dma_start3A_220[%dma_start3A_221, %dma_start3A_222] : memref<256x128xf32, #tpu.memory_space<vmem>> -> memref<128x128xf32, #tpu.memory_space<vmem>>
        %dma_start3A_224 = arith.constant 0 : i32
        %dma_start3A_225 = arith.constant 0 : i32
        %dma_start3A_226 = arith.constant 0 : i32
        %dma_start3A_227 = tpu.memref_slice %run_scoped3A[%rem3A_212, %dma_start3A_224, %dma_start3A_225, %dma_start3A_226] : memref<2x1x2x128xi32, #tpu.memory_space<vmem>> -> memref<1x1x2x128xi32, #tpu.memory_space<vmem>>
        %dma_start3A_228 = tpu.memref_squeeze %dma_start3A_227 : memref<1x1x2x128xi32, #tpu.memory_space<vmem>> -> memref<1x2x128xi32, #tpu.memory_space<vmem>>
        %dma_start3A_229 = arith.constant 0 : i32
        %dma_start3A_230 = tpu.memref_slice %dma_start3A_228[%dma_start3A_215, %dma_start3A_216, %dma_start3A_229] : memref<1x2x128xi32, #tpu.memory_space<vmem>> -> memref<1x1x128xi32, #tpu.memory_space<vmem>>
        %dma_start3A_231 = tpu.memref_squeeze %dma_start3A_230 : memref<1x1x128xi32, #tpu.memory_space<vmem>> -> memref<128xi32, #tpu.memory_space<vmem>>
        %dma_start3A_232 = arith.constant 0 : i32
        %dma_start3A_233 = arith.constant 0 : i32
        %dma_start3A_234 = tpu.memref_slice %arg5[%dma_start3A_232, %dma_start3A_233] : memref<128x128xf32, #tpu.memory_space<vmem_shared>> -> memref<128x128xf32, #tpu.memory_space<vmem_shared>>
        tpu.enqueue_indirect_dma source(%dma_start3A_234 : memref<128x128xf32, #tpu.memory_space<vmem_shared>>) target(%dma_start3A_223 : memref<128x128xf32, #tpu.memory_space<vmem>>) offsets(%dma_start3A_231 : memref<128xi32, #tpu.memory_space<vmem>>) semaphore(%arg6 : memref<!tpu.dma_semaphore, #tpu.memory_space<semaphore_mem>>)
        %dma_start3A_235 = arith.constant 0 : i32
        %dma_start3A_236 = arith.constant 1 : i32
        %dma_start3A_237 = arith.constant 0 : i32
        %dma_start3A_238 = arith.constant 0 : i32
        %dma_start3A_239 = tpu.memref_slice %run_scoped3A_10[%rem3A_214, %dma_start3A_237, %dma_start3A_238] : memref<2x256x128xf32, #tpu.memory_space<vmem>> -> memref<1x256x128xf32, #tpu.memory_space<vmem>>
        %dma_start3A_240 = tpu.memref_squeeze %dma_start3A_239 : memref<1x256x128xf32, #tpu.memory_space<vmem>> -> memref<256x128xf32, #tpu.memory_space<vmem>>
        %dma_start3A_241 = arith.constant 128 : i32
        %dma_start3A_242 = arith.constant 0 : i32
        %dma_start3A_243 = tpu.memref_slice %dma_start3A_240[%dma_start3A_241, %dma_start3A_242] : memref<256x128xf32, #tpu.memory_space<vmem>> -> memref<128x128xf32, #tpu.memory_space<vmem>>
        %dma_start3A_244 = arith.constant 0 : i32
        %dma_start3A_245 = arith.constant 0 : i32
        %dma_start3A_246 = arith.constant 0 : i32
        %dma_start3A_247 = tpu.memref_slice %run_scoped3A[%rem3A_212, %dma_start3A_244, %dma_start3A_245, %dma_start3A_246] : memref<2x1x2x128xi32, #tpu.memory_space<vmem>> -> memref<1x1x2x128xi32, #tpu.memory_space<vmem>>
        %dma_start3A_248 = tpu.memref_squeeze %dma_start3A_247 : memref<1x1x2x128xi32, #tpu.memory_space<vmem>> -> memref<1x2x128xi32, #tpu.memory_space<vmem>>
        %dma_start3A_249 = arith.constant 0 : i32
        %dma_start3A_250 = tpu.memref_slice %dma_start3A_248[%dma_start3A_235, %dma_start3A_236, %dma_start3A_249] : memref<1x2x128xi32, #tpu.memory_space<vmem>> -> memref<1x1x128xi32, #tpu.memory_space<vmem>>
        %dma_start3A_251 = tpu.memref_squeeze %dma_start3A_250 : memref<1x1x128xi32, #tpu.memory_space<vmem>> -> memref<128xi32, #tpu.memory_space<vmem>>
        %dma_start3A_252 = arith.constant 0 : i32
        %dma_start3A_253 = arith.constant 0 : i32
        %dma_start3A_254 = tpu.memref_slice %arg5[%dma_start3A_252, %dma_start3A_253] : memref<128x128xf32, #tpu.memory_space<vmem_shared>> -> memref<128x128xf32, #tpu.memory_space<vmem_shared>>
        tpu.enqueue_indirect_dma source(%dma_start3A_254 : memref<128x128xf32, #tpu.memory_space<vmem_shared>>) target(%dma_start3A_243 : memref<128x128xf32, #tpu.memory_space<vmem>>) offsets(%dma_start3A_251 : memref<128xi32, #tpu.memory_space<vmem>>) semaphore(%arg6 : memref<!tpu.dma_semaphore, #tpu.memory_space<semaphore_mem>>)
        %dma_wait3A_255 = arith.constant 0 : i32
        %dma_wait3A_256 = arith.constant 0 : i32
        %dma_wait3A_257 = arith.constant 0 : i32
        %dma_wait3A_258 = arith.constant 0 : i32
        %dma_wait3A_259 = tpu.memref_slice %run_scoped3A_10[%rem3A_214, %dma_wait3A_257, %dma_wait3A_258] : memref<2x256x128xf32, #tpu.memory_space<vmem>> -> memref<1x256x128xf32, #tpu.memory_space<vmem>>
        %dma_wait3A_260 = tpu.memref_squeeze %dma_wait3A_259 : memref<1x256x128xf32, #tpu.memory_space<vmem>> -> memref<256x128xf32, #tpu.memory_space<vmem>>
        %dma_wait3A_261 = arith.constant 0 : i32
        %dma_wait3A_262 = arith.constant 0 : i32
        %dma_wait3A_263 = tpu.memref_slice %dma_wait3A_260[%dma_wait3A_261, %dma_wait3A_262] : memref<256x128xf32, #tpu.memory_space<vmem>> -> memref<128x128xf32, #tpu.memory_space<vmem>>
        %dma_wait3A_264 = arith.constant 0 : i32
        %dma_wait3A_265 = arith.constant 0 : i32
        %dma_wait3A_266 = arith.constant 0 : i32
        %dma_wait3A_267 = tpu.memref_slice %run_scoped3A[%rem3A_212, %dma_wait3A_264, %dma_wait3A_265, %dma_wait3A_266] : memref<2x1x2x128xi32, #tpu.memory_space<vmem>> -> memref<1x1x2x128xi32, #tpu.memory_space<vmem>>
        %dma_wait3A_268 = tpu.memref_squeeze %dma_wait3A_267 : memref<1x1x2x128xi32, #tpu.memory_space<vmem>> -> memref<1x2x128xi32, #tpu.memory_space<vmem>>
        %dma_wait3A_269 = arith.constant 0 : i32
        %dma_wait3A_270 = tpu.memref_slice %dma_wait3A_268[%dma_wait3A_255, %dma_wait3A_256, %dma_wait3A_269] : memref<1x2x128xi32, #tpu.memory_space<vmem>> -> memref<1x1x128xi32, #tpu.memory_space<vmem>>
        %dma_wait3A_271 = tpu.memref_squeeze %dma_wait3A_270 : memref<1x1x128xi32, #tpu.memory_space<vmem>> -> memref<128xi32, #tpu.memory_space<vmem>>
        %dma_wait3A_272 = arith.constant 0 : i32
        %dma_wait3A_273 = arith.constant 0 : i32
        %dma_wait3A_274 = tpu.memref_slice %arg5[%dma_wait3A_272, %dma_wait3A_273] : memref<128x128xf32, #tpu.memory_space<vmem_shared>> -> memref<128x128xf32, #tpu.memory_space<vmem_shared>>
        tpu.wait_indirect_dma semaphore(%arg6 : memref<!tpu.dma_semaphore, #tpu.memory_space<semaphore_mem>>) src(%dma_wait3A_274 : memref<128x128xf32, #tpu.memory_space<vmem_shared>>) dst(%dma_wait3A_263 : memref<128x128xf32, #tpu.memory_space<vmem>>)
        %dma_wait3A_275 = arith.constant 0 : i32
        %dma_wait3A_276 = arith.constant 1 : i32
        %dma_wait3A_277 = arith.constant 0 : i32
        %dma_wait3A_278 = arith.constant 0 : i32
        %dma_wait3A_279 = tpu.memref_slice %run_scoped3A_10[%rem3A_214, %dma_wait3A_277, %dma_wait3A_278] : memref<2x256x128xf32, #tpu.memory_space<vmem>> -> memref<1x256x128xf32, #tpu.memory_space<vmem>>
        %dma_wait3A_280 = tpu.memref_squeeze %dma_wait3A_279 : memref<1x256x128xf32, #tpu.memory_space<vmem>> -> memref<256x128xf32, #tpu.memory_space<vmem>>
        %dma_wait3A_281 = arith.constant 128 : i32
        %dma_wait3A_282 = arith.constant 0 : i32
        %dma_wait3A_283 = tpu.memref_slice %dma_wait3A_280[%dma_wait3A_281, %dma_wait3A_282] : memref<256x128xf32, #tpu.memory_space<vmem>> -> memref<128x128xf32, #tpu.memory_space<vmem>>
        %dma_wait3A_284 = arith.constant 0 : i32
        %dma_wait3A_285 = arith.constant 0 : i32
        %dma_wait3A_286 = arith.constant 0 : i32
        %dma_wait3A_287 = tpu.memref_slice %run_scoped3A[%rem3A_212, %dma_wait3A_284, %dma_wait3A_285, %dma_wait3A_286] : memref<2x1x2x128xi32, #tpu.memory_space<vmem>> -> memref<1x1x2x128xi32, #tpu.memory_space<vmem>>
        %dma_wait3A_288 = tpu.memref_squeeze %dma_wait3A_287 : memref<1x1x2x128xi32, #tpu.memory_space<vmem>> -> memref<1x2x128xi32, #tpu.memory_space<vmem>>
        %dma_wait3A_289 = arith.constant 0 : i32
        %dma_wait3A_290 = tpu.memref_slice %dma_wait3A_288[%dma_wait3A_275, %dma_wait3A_276, %dma_wait3A_289] : memref<1x2x128xi32, #tpu.memory_space<vmem>> -> memref<1x1x128xi32, #tpu.memory_space<vmem>>
        %dma_wait3A_291 = tpu.memref_squeeze %dma_wait3A_290 : memref<1x1x128xi32, #tpu.memory_space<vmem>> -> memref<128xi32, #tpu.memory_space<vmem>>
        %dma_wait3A_292 = arith.constant 0 : i32
        %dma_wait3A_293 = arith.constant 0 : i32
        %dma_wait3A_294 = tpu.memref_slice %arg5[%dma_wait3A_292, %dma_wait3A_293] : memref<128x128xf32, #tpu.memory_space<vmem_shared>> -> memref<128x128xf32, #tpu.memory_space<vmem_shared>>
        tpu.wait_indirect_dma semaphore(%arg6 : memref<!tpu.dma_semaphore, #tpu.memory_space<semaphore_mem>>) src(%dma_wait3A_294 : memref<128x128xf32, #tpu.memory_space<vmem_shared>>) dst(%dma_wait3A_283 : memref<128x128xf32, #tpu.memory_space<vmem>>)
        "tpu.trace_stop"() : () -> ()
        %ne3A_295 = arith.cmpi ne, %add3A_138, %add3A_156 : i32
        %or3A_296 = arith.constant false
        %or3A_297 = arith.ori %or3A_296, %ne3A_295 : i1
        %or3A_298 = arith.constant false
        %or3A_299 = arith.ori %or3A_297, %or3A_298 : i1
        %or3A_300 = arith.constant false
        %or3A_301 = arith.ori %or3A_299, %or3A_300 : i1
        %or3A_302 = arith.ori %or3A_301, %eq3A_137 : i1
        %convert_element_type3A_303 = arith.extui %or3A_302 : i1 to i32
        %cond3A_304 = arith.constant 0 : i32
        %cond3A_305 = arith.cmpi ne, %convert_element_type3A_303, %cond3A_304 : i32
        scf.if %cond3A_305 {
        } else {
        }
        %and3A_306 = arith.constant false
        %and3A_307 = arith.andi %or3A_302, %and3A_306 : i1
        %ne3A_308 = arith.cmpi ne, %add3A_138, %add3A_156 : i32
        %or3A_309 = arith.constant false
        %or3A_310 = arith.ori %or3A_309, %ne3A_308 : i1
        %or3A_311 = arith.constant false
        %or3A_312 = arith.ori %or3A_310, %or3A_311 : i1
        %or3A_313 = arith.ori %or3A_312, %eq3A_137 : i1
        %convert_element_type3A_314 = arith.extui %or3A_313 : i1 to i32
        %cond3A_315 = arith.constant 0 : i32
        %cond3A_316 = arith.cmpi ne, %convert_element_type3A_314, %cond3A_315 : i32
        scf.if %cond3A_316 {
          "tpu.trace_start"() <{level = 10 : i32, message = "ep_copy_out"}> : () -> ()
          %rem3A_372 = arith.constant 2 : i32
          %rem3A_373 = arith.remui %scan3A_131, %rem3A_372 : i32
          %mul3A_374 = arith.constant 256 : i32
          %mul3A_375 = arith.muli %mul3A_374, %add3A_138 : i32
          %dma_start3A_376 = arith.constant 0 : i32
          %dma_start3A_377 = arith.constant 0 : i32
          %dma_start3A_378 = tpu.memref_slice %run_scoped3A_10[%rem3A_373, %dma_start3A_376, %dma_start3A_377] : memref<2x256x128xf32, #tpu.memory_space<vmem>> -> memref<1x256x128xf32, #tpu.memory_space<vmem>>
          %dma_start3A_379 = tpu.memref_squeeze %dma_start3A_378 : memref<1x256x128xf32, #tpu.memory_space<vmem>> -> memref<256x128xf32, #tpu.memory_space<vmem>>
          %dma_start3A_380 = arith.constant 0 : i32
          %dma_start3A_381 = tpu.memref_slice %arg4[%mul3A_375, %dma_start3A_380] : memref<819200x128xf32, #tpu.memory_space<hbm>> -> memref<256x128xf32, #tpu.memory_space<hbm>>
          %dma_start3A_382 = tpu.memref_slice %run_scoped3A_11[%rem3A_373] : memref<2x!tpu.dma_semaphore, #tpu.memory_space<semaphore_mem>> -> memref<1x!tpu.dma_semaphore, #tpu.memory_space<semaphore_mem>>
          %dma_start3A_383 = tpu.memref_squeeze %dma_start3A_382 : memref<1x!tpu.dma_semaphore, #tpu.memory_space<semaphore_mem>> -> memref<!tpu.dma_semaphore, #tpu.memory_space<semaphore_mem>>
          %dma_start3A_384 = arith.constant 0 : i32
          %dma_start3A_385 = tpu.memref_slice %arg4[%mul3A_375, %dma_start3A_384] : memref<819200x128xf32, #tpu.memory_space<hbm>> -> memref<256x128xf32, #tpu.memory_space<hbm>>
          %dma_start3A_386 = arith.constant 0 : i32
          %dma_start3A_387 = arith.constant 0 : i32
          %dma_start3A_388 = tpu.memref_slice %run_scoped3A_10[%rem3A_373, %dma_start3A_386, %dma_start3A_387] : memref<2x256x128xf32, #tpu.memory_space<vmem>> -> memref<1x256x128xf32, #tpu.memory_space<vmem>>
          %dma_start3A_389 = tpu.memref_squeeze %dma_start3A_388 : memref<1x256x128xf32, #tpu.memory_space<vmem>> -> memref<256x128xf32, #tpu.memory_space<vmem>>
          tpu.enqueue_dma source(%dma_start3A_389 : memref<256x128xf32, #tpu.memory_space<vmem>>) target(%dma_start3A_385 : memref<256x128xf32, #tpu.memory_space<hbm>>) target_semaphore(%dma_start3A_383 : memref<!tpu.dma_semaphore, #tpu.memory_space<semaphore_mem>>)
          "tpu.trace_stop"() : () -> ()
        } else {
        }
        %and3A_317 = arith.constant true
        %and3A_318 = arith.andi %or3A_313, %and3A_317 : i1
        %add3A_319 = arith.constant 1 : i32
        %add3A_320 = arith.addi %scan3A_131, %add3A_319 : i32
        %select_n3A_321 = arith.select %and3A_318, %add3A_320, %scan3A_131 : i32
        %ne3A_322 = arith.cmpi ne, %add3A_138, %add3A_147 : i32
        %or3A_323 = arith.constant false
        %or3A_324 = arith.ori %or3A_323, %ne3A_322 : i1
        %or3A_325 = arith.constant false
        %or3A_326 = arith.ori %or3A_324, %or3A_325 : i1
        %or3A_327 = arith.constant false
        %or3A_328 = arith.ori %or3A_326, %or3A_327 : i1
        %not3A_329 = arith.constant true
        %not3A_330 = arith.xori %eq3A_135, %not3A_329 : i1
        %and3A_331 = arith.andi %or3A_328, %not3A_330 : i1
        %convert_element_type3A_332 = arith.extui %and3A_331 : i1 to i32
        %cond3A_333 = arith.constant 0 : i32
        %cond3A_334 = arith.cmpi ne, %convert_element_type3A_332, %cond3A_333 : i32
        scf.if %cond3A_334 {
        } else {
        }
        %and3A_335 = arith.constant false
        %and3A_336 = arith.andi %and3A_331, %and3A_335 : i1
        %ne3A_337 = arith.cmpi ne, %add3A_138, %add3A_147 : i32
        %or3A_338 = arith.constant false
        %or3A_339 = arith.ori %or3A_338, %ne3A_337 : i1
        %or3A_340 = arith.constant false
        %or3A_341 = arith.ori %or3A_339, %or3A_340 : i1
        %not3A_342 = arith.constant true
        %not3A_343 = arith.xori %eq3A_135, %not3A_342 : i1
        %and3A_344 = arith.andi %or3A_341, %not3A_343 : i1
        %convert_element_type3A_345 = arith.extui %and3A_344 : i1 to i32
        %cond3A_346 = arith.constant 0 : i32
        %cond3A_347 = arith.cmpi ne, %convert_element_type3A_345, %cond3A_346 : i32
        scf.if %cond3A_347 {
          "tpu.trace_start"() <{level = 10 : i32, message = "ep_wait_out"}> : () -> ()
          %rem3A_372 = arith.constant 2 : i32
          %rem3A_373 = arith.remui %scan3A_132, %rem3A_372 : i32
          %mul3A_374 = arith.constant 256 : i32
          %mul3A_375 = arith.muli %mul3A_374, %add3A_147 : i32
          %dma_wait3A_376 = arith.constant 0 : i32
          %dma_wait3A_377 = arith.constant 0 : i32
          %dma_wait3A_378 = tpu.memref_slice %run_scoped3A_10[%rem3A_373, %dma_wait3A_376, %dma_wait3A_377] : memref<2x256x128xf32, #tpu.memory_space<vmem>> -> memref<1x256x128xf32, #tpu.memory_space<vmem>>
          %dma_wait3A_379 = tpu.memref_squeeze %dma_wait3A_378 : memref<1x256x128xf32, #tpu.memory_space<vmem>> -> memref<256x128xf32, #tpu.memory_space<vmem>>
          %dma_wait3A_380 = arith.constant 0 : i32
          %dma_wait3A_381 = tpu.memref_slice %arg4[%mul3A_375, %dma_wait3A_380] : memref<819200x128xf32, #tpu.memory_space<hbm>> -> memref<256x128xf32, #tpu.memory_space<hbm>>
          %dma_wait3A_382 = tpu.memref_slice %run_scoped3A_11[%rem3A_373] : memref<2x!tpu.dma_semaphore, #tpu.memory_space<semaphore_mem>> -> memref<1x!tpu.dma_semaphore, #tpu.memory_space<semaphore_mem>>
          %dma_wait3A_383 = tpu.memref_squeeze %dma_wait3A_382 : memref<1x!tpu.dma_semaphore, #tpu.memory_space<semaphore_mem>> -> memref<!tpu.dma_semaphore, #tpu.memory_space<semaphore_mem>>
          %dma_wait3A_384 = arith.constant 0 : i32
          %dma_wait3A_385 = tpu.memref_slice %arg4[%mul3A_375, %dma_wait3A_384] : memref<819200x128xf32, #tpu.memory_space<hbm>> -> memref<256x128xf32, #tpu.memory_space<hbm>>
          %dma_wait3A_386 = arith.constant 0 : i32
          %dma_wait3A_387 = arith.constant 0 : i32
          %dma_wait3A_388 = tpu.memref_slice %run_scoped3A_10[%rem3A_373, %dma_wait3A_386, %dma_wait3A_387] : memref<2x256x128xf32, #tpu.memory_space<vmem>> -> memref<1x256x128xf32, #tpu.memory_space<vmem>>
          %dma_wait3A_389 = tpu.memref_squeeze %dma_wait3A_388 : memref<1x256x128xf32, #tpu.memory_space<vmem>> -> memref<256x128xf32, #tpu.memory_space<vmem>>
          tpu.wait_dma2 semaphore(%dma_wait3A_383 : memref<!tpu.dma_semaphore, #tpu.memory_space<semaphore_mem>>) src(%dma_wait3A_389 : memref<256x128xf32, #tpu.memory_space<vmem>>) dst(%dma_wait3A_385 : memref<256x128xf32, #tpu.memory_space<hbm>>)
          "tpu.trace_stop"() : () -> ()
        } else {
        }
        %and3A_348 = arith.constant true
        %and3A_349 = arith.andi %and3A_344, %and3A_348 : i1
        %add3A_350 = arith.constant 1 : i32
        %add3A_351 = arith.addi %scan3A_132, %add3A_350 : i32
        %select_n3A_352 = arith.select %and3A_349, %add3A_351, %scan3A_132 : i32
        %ne3A_353 = arith.cmpi ne, %add3A_138, %add3A_156 : i32
        %or3A_354 = arith.constant false
        %or3A_355 = arith.ori %or3A_354, %ne3A_353 : i1
        %or3A_356 = arith.constant false
        %or3A_357 = arith.ori %or3A_355, %or3A_356 : i1
        %or3A_358 = arith.constant false
        %or3A_359 = arith.ori %or3A_357, %or3A_358 : i1
        %or3A_360 = arith.ori %or3A_359, %eq3A_137 : i1
        %add3A_361 = arith.constant 1 : i32
        %add3A_362 = arith.addi %scan3A_130, %add3A_361 : i32
        %select_n3A_363 = arith.select %or3A_360, %add3A_362, %scan3A_130 : i32
        %add3A_364 = arith.constant 1 : i32
        %add3A_365 = arith.addi %scan3A_133, %add3A_364 : i32
        %select_n3A_366 = arith.constant true
        %select_n3A_367 = arith.select %select_n3A_366, %add3A_365, %scan3A_133 : i32
        %eq3A_368 = arith.constant 100 : i32
        %eq3A_369 = arith.cmpi eq, %select_n3A_367, %eq3A_368 : i32
        %select_n3A_370 = arith.constant 0 : i32
        %select_n3A_371 = arith.select %eq3A_369, %select_n3A_370, %select_n3A_367 : i32
        scf.yield %select_n3A_180, %select_n3A_363, %select_n3A_321, %select_n3A_352, %select_n3A_371 : i32, i32, i32, i32, i32
      }
      %scan3A_75 = arith.constant 100 : i32
      %sub3A = arith.constant 1 : i32
      %sub3A_76 = arith.subi %scan3A_74#4, %sub3A : i32
      %select_n3A_77 = arith.constant true
      %select_n3A_78 = arith.select %select_n3A_77, %sub3A_76, %scan3A_74#4 : i32
      %eq3A_79 = arith.constant -1 : i32
      %eq3A_80 = arith.cmpi eq, %select_n3A_78, %eq3A_79 : i32
      %select_n3A_81 = arith.constant 99 : i32
      %select_n3A_82 = arith.select %eq3A_80, %select_n3A_81, %select_n3A_78 : i32
      %add3A_83 = arith.addi %select_n3A_82, %mul3A_8 : i32
      %sub3A_84 = arith.constant 1 : i32
      %sub3A_85 = arith.subi %select_n3A_82, %sub3A_84 : i32
      %select_n3A_86 = arith.constant true
      %select_n3A_87 = arith.select %select_n3A_86, %sub3A_85, %select_n3A_82 : i32
      %eq3A_88 = arith.constant -1 : i32
      %eq3A_89 = arith.cmpi eq, %select_n3A_87, %eq3A_88 : i32
      %select_n3A_90 = arith.constant 99 : i32
      %select_n3A_91 = arith.select %eq3A_89, %select_n3A_90, %select_n3A_87 : i32
      %add3A_92 = arith.addi %select_n3A_91, %mul3A_8 : i32
      %add3A_93 = arith.constant 1 : i32
      %add3A_94 = arith.addi %select_n3A_82, %add3A_93 : i32
      %select_n3A_95 = arith.constant true
      %select_n3A_96 = arith.select %select_n3A_95, %add3A_94, %select_n3A_82 : i32
      %eq3A_97 = arith.constant 100 : i32
      %eq3A_98 = arith.cmpi eq, %select_n3A_96, %eq3A_97 : i32
      %select_n3A_99 = arith.constant 0 : i32
      %select_n3A_100 = arith.select %eq3A_98, %select_n3A_99, %select_n3A_96 : i32
      %add3A_101 = arith.addi %select_n3A_100, %mul3A_8 : i32
      %add3A_102 = arith.constant 1 : i32
      %add3A_103 = arith.addi %select_n3A_100, %add3A_102 : i32
      %select_n3A_104 = arith.constant true
      %select_n3A_105 = arith.select %select_n3A_104, %add3A_103, %select_n3A_100 : i32
      %eq3A_106 = arith.constant 100 : i32
      %eq3A_107 = arith.cmpi eq, %select_n3A_105, %eq3A_106 : i32
      %select_n3A_108 = arith.constant 0 : i32
      %select_n3A_109 = arith.select %eq3A_107, %select_n3A_108, %select_n3A_105 : i32
      %add3A_110 = arith.addi %select_n3A_109, %mul3A_8 : i32
      "tpu.trace_start"() <{level = 10 : i32, message = "ep_finalize"}> : () -> ()
      %rem3A_111 = arith.constant 2 : i32
      %rem3A_112 = arith.remui %scan3A_74#3, %rem3A_111 : i32
      %mul3A_113 = arith.constant 256 : i32
      %mul3A_114 = arith.muli %mul3A_113, %add3A_83 : i32
      %dma_wait3A = arith.constant 0 : i32
      %dma_wait3A_115 = arith.constant 0 : i32
      %dma_wait3A_116 = tpu.memref_slice %run_scoped3A_10[%rem3A_112, %dma_wait3A, %dma_wait3A_115] : memref<2x256x128xf32, #tpu.memory_space<vmem>> -> memref<1x256x128xf32, #tpu.memory_space<vmem>>
      %dma_wait3A_117 = tpu.memref_squeeze %dma_wait3A_116 : memref<1x256x128xf32, #tpu.memory_space<vmem>> -> memref<256x128xf32, #tpu.memory_space<vmem>>
      %dma_wait3A_118 = arith.constant 0 : i32
      %dma_wait3A_119 = tpu.memref_slice %arg4[%mul3A_114, %dma_wait3A_118] : memref<819200x128xf32, #tpu.memory_space<hbm>> -> memref<256x128xf32, #tpu.memory_space<hbm>>
      %dma_wait3A_120 = tpu.memref_slice %run_scoped3A_11[%rem3A_112] : memref<2x!tpu.dma_semaphore, #tpu.memory_space<semaphore_mem>> -> memref<1x!tpu.dma_semaphore, #tpu.memory_space<semaphore_mem>>
      %dma_wait3A_121 = tpu.memref_squeeze %dma_wait3A_120 : memref<1x!tpu.dma_semaphore, #tpu.memory_space<semaphore_mem>> -> memref<!tpu.dma_semaphore, #tpu.memory_space<semaphore_mem>>
      %dma_wait3A_122 = arith.constant 0 : i32
      %dma_wait3A_123 = tpu.memref_slice %arg4[%mul3A_114, %dma_wait3A_122] : memref<819200x128xf32, #tpu.memory_space<hbm>> -> memref<256x128xf32, #tpu.memory_space<hbm>>
      %dma_wait3A_124 = arith.constant 0 : i32
      %dma_wait3A_125 = arith.constant 0 : i32
      %dma_wait3A_126 = tpu.memref_slice %run_scoped3A_10[%rem3A_112, %dma_wait3A_124, %dma_wait3A_125] : memref<2x256x128xf32, #tpu.memory_space<vmem>> -> memref<1x256x128xf32, #tpu.memory_space<vmem>>
      %dma_wait3A_127 = tpu.memref_squeeze %dma_wait3A_126 : memref<1x256x128xf32, #tpu.memory_space<vmem>> -> memref<256x128xf32, #tpu.memory_space<vmem>>
      tpu.wait_dma2 semaphore(%dma_wait3A_121 : memref<!tpu.dma_semaphore, #tpu.memory_space<semaphore_mem>>) src(%dma_wait3A_127 : memref<256x128xf32, #tpu.memory_space<vmem>>) dst(%dma_wait3A_123 : memref<256x128xf32, #tpu.memory_space<hbm>>)
      "tpu.trace_stop"() : () -> ()
      tpu.yield
    }) : () -> ()
    return
  }
}

</mosaic_0001>

<sc_bundles>
// kernel: kernel.3.cloned.1.call-start
scs
__scs_entry_jumppad:
0x0: {  	(pc) =	sbr.rel $0x88, $3  }
0x1: {  	(tag) =	ssettag $0x0;
	lr =	simm.s32 $0x1  }
0x2: {  	[smem:$0x3F9F] =	sst lr;
	_ =	strace $0xD0000000  }
0x3: {  	_ = 	snop  }
0x4: {  	_ = 	snop  }
0x5: {  	_ = 	snop  }
0x6: {  	_ = 	snop  }
0x7: {  	_ = 	snop  }
__scs_overlays_trampoline_lowered:
0x8: {  	[smem:$0x3FAE] =	sst s0  }
0x9: {  	[smem:$0x3FAF] =	sst s1  }
0xa: {  	[smem:$0x3FB0] =	sst s2  }
0xb: {  	[smem:$0x3FB1] =	sst s3  }
0xc: {  	[smem:$0x3FB2] =	sst s4  }
0xd: {  	[smem:$0x3FB3] =	sst s5  }
0xe: {  	[smem:$0x3FB4] =	sst s6  }
0xf: {  	[smem:$0x3FB5] =	sst s7  }
0x10: {  	[smem:$0x3FB6] =	sst s8  }
0x11: {  	[smem:$0x3FB7] =	sst s9;
	s0 =	simm.s32 @!p0 $0x0  }
0x12: {  	s1 =	sld [smem:$0x3F9D];
	s0 =	simm.s32 @p0 $0x1  }
0x13: {  	[smem:$0x3FB8] =	sst s0;
	s0 =	simm.s32 @!p1 $0x0  }
0x14: {  	s2 =	sld [smem:$0x3F9C];
	s0 =	simm.s32 @p1 $0x1  }
0x15: {  	[smem:$0x3FB9] =	sst s0;
	s0 =	simm.s32 @!p2 $0x0  }
0x16: {  	s3 =	sld [smem:$0x3FDB];
	s0 =	simm.s32 @p2 $0x1  }
0x17: {  	s4 =	simm.s32 $0x1BF5;
	[smem:$0x3FBB] =	sst s0  }
0x18: {  	s0 =	sld [smem:$0x3F9E];
	_ =	swait.ge [sflag:s4], $0x0  }
0x19: {  	s7 =	sld [smem:$0x3F9F]  }
0x1a: {  	s8 =	sadd.s32 $0xFFFFE003, lr  }
0x1b: {  	s9 =	sadd.s32 $0xFFFFFEF7, lr;
	s5 =	simm.s32 $0xFFFFFFFF;
	p2 =	slt.u32 s8, $0xFFFFF086  }
0x1c: {  	p1 =	slt.u32 s9, $0xF7A;
	s5 =	simm.s32 @!p2 $0x0  }
0x1d: {  	s5 =	simm.s32 @p1 $0x1;
	p0 =	seq.s32 s7, s2  }
0x1e: {  	s7 =	smul.u32 @!p0 $0xF7A, s2;
	p2 =	seq.s32 @!p0 s5, $0x0  }
0x1f: {  	s9 =	smul.u32 $0xF7A, s1;
	s8 =	simm.s32 @!p0 $0x1BF5;
	p2 =	por !p2, p0  }
0x20: {  	[sflag:s8] =	ssyncset.s32 @!p0 $0xFFFFF086;
	s6 =	sadd.s32 @!p0 s3, s7;
	s7 =	simm.s32 @!p0 $0x108  }
0x21: {  	s3 =	sadd.s32 s3, s9;
	s6 =	sadd.s32 @!p0 $0x88, s6;
	s7 =	simm.s32 @p2 $0x1082  }
0x22: {  	[simem:s7], [sflag:s8] =	dma.local @!p0 [hbm:s6], $0xF7A  }
0x23: {  	s9 =	sor.u32 $0xD0000000, s2;
	s6 =	simm.s32 $0x108;
	_ =	swait.ge @!p0 [sflag:s8], $0x0  }
0x24: {  	s3 =	sadd.s32 $0x88, s3;
	s6 =	simm.s32 @!p1 $0x1082;
	[sflag:s4] =	ssyncset.s32 $0xFFFFF086  }
0x25: {  	[simem:s6], [sflag:s4] =	dma.local [hbm:s3], $0xF7A  }
0x26: {  	[smem:$0x3F9F] =	sst s1;
	(tag) =	ssettag s2;
	_ =	strace s9  }
0x27: {  	s1 =	sld [smem:$0x3FAF]  }
0x28: {  	s2 =	sld [smem:$0x3FB0]  }
0x29: {  	s4 =	sld [smem:$0x3FB2]  }
0x2a: {  	p0 =	seq.s32 s5, $0x0;
	s5 =	sld [smem:$0x3FB3]  }
0x2b: {  	s6 =	sld [smem:$0x3FB4]  }
0x2c: {  	s7 =	sld [smem:$0x3FB5]  }
0x2d: {  	s3 =	simm.s32 $0x108;
	s8 =	sld [smem:$0x3FB6]  }
0x2e: {  	s3 =	simm.s32 @!p0 $0x1082;
	s9 =	sld [smem:$0x3FB7]  }
0x2f: {  	lr =	sadd.s32 s0, s3;
	s0 =	sld [smem:$0x3FAE]  }
0x30: {  	s3 =	sld [smem:$0x3FB1]  }
0x31: {  	[smem:$0x3FBA] =	sst s10  }
0x32: {  	s10 =	sld [smem:$0x3FB8];
	_ =	sdelay $0x3  }
0x33: {  	p0 =	seq.s32 s10, $0x1;
	s10 =	sld [smem:$0x3FBA];
	_ =	sdelay $0x3  }
0x34: {  	[smem:$0x3FBA] =	sst s10  }
0x35: {  	s10 =	sld [smem:$0x3FB9];
	_ =	sdelay $0x3  }
0x36: {  	p1 =	seq.s32 s10, $0x1;
	s10 =	sld [smem:$0x3FBA];
	_ =	sdelay $0x3  }
0x37: {  	[smem:$0x3FBA] =	sst s10  }
0x38: {  	s10 =	sld [smem:$0x3FBB]  }
0x39: {  	_ = 	snop;
	(pc) =	sbr.ind lr, $3  }
0x3a: {  	_ = 	snop  }
0x3b: {  	_ = 	snop  }
0x3c: {  	p2 =	seq.s32 s10, $0x1;
	s10 =	sld [smem:$0x3FBA]  }
0x3d: {  	_ =	shalt  }
0x3e: {  	_ =	shalt  }
0x3f: {  	_ =	shalt  }
0x40: {  	_ =	shalt  }
0x41: {  	_ =	shalt  }
0x42: {  	_ =	shalt  }
0x43: {  	_ =	shalt  }
0x44: {  	_ =	shalt  }
0x45: {  	_ =	shalt  }
0x46: {  	_ =	shalt  }
0x47: {  	_ =	shalt  }
0x48: {  	_ =	shalt  }
0x49: {  	_ =	shalt  }
0x4a: {  	_ =	shalt  }
0x4b: {  	_ =	shalt  }
0x4c: {  	_ =	shalt  }
0x4d: {  	_ =	shalt  }
0x4e: {  	_ =	shalt  }
0x4f: {  	_ =	shalt  }
0x50: {  	_ =	shalt  }
0x51: {  	_ =	shalt  }
0x52: {  	_ =	shalt  }
0x53: {  	_ =	shalt  }
0x54: {  	_ =	shalt  }
0x55: {  	_ =	shalt  }
0x56: {  	_ =	shalt  }
0x57: {  	_ =	shalt  }
0x58: {  	_ =	shalt  }
0x59: {  	_ =	shalt  }
0x5a: {  	_ =	shalt  }
0x5b: {  	_ =	shalt  }
0x5c: {  	_ =	shalt  }
0x5d: {  	_ =	shalt  }
0x5e: {  	_ =	shalt  }
0x5f: {  	_ =	shalt  }
0x60: {  	_ =	shalt  }
0x61: {  	_ =	shalt  }
0x62: {  	_ =	shalt  }
0x63: {  	_ =	shalt  }
0x64: {  	_ =	shalt  }
0x65: {  	_ =	shalt  }
0x66: {  	_ =	shalt  }
0x67: {  	_ =	shalt  }
0x68: {  	_ =	shalt  }
0x69: {  	_ =	shalt  }
0x6a: {  	_ =	shalt  }
0x6b: {  	_ =	shalt  }
0x6c: {  	_ =	shalt  }
0x6d: {  	_ =	shalt  }
0x6e: {  	_ =	shalt  }
0x6f: {  	_ =	shalt  }
0x70: {  	_ =	shalt  }
0x71: {  	_ =	shalt  }
0x72: {  	_ =	shalt  }
0x73: {  	_ =	shalt  }
0x74: {  	_ =	shalt  }
0x75: {  	_ =	shalt  }
0x76: {  	_ =	shalt  }
0x77: {  	_ =	shalt  }
0x78: {  	_ =	shalt  }
0x79: {  	_ =	shalt  }
0x7a: {  	_ =	shalt  }
0x7b: {  	_ =	shalt  }
0x7c: {  	_ =	shalt  }
0x7d: {  	_ =	shalt  }
0x7e: {  	_ =	shalt  }
0x7f: {  	_ =	shalt  }
0x80: {  	_ =	shalt  }
0x81: {  	_ =	shalt  }
0x82: {  	_ =	shalt  }
0x83: {  	_ =	shalt  }
0x84: {  	_ =	shalt  }
0x85: {  	_ =	shalt  }
0x86: {  	_ =	shalt  }
0x87: {  	_ =	shalt  }
.Lfunc_end0:
.L_simem_size_0:
called_computation_lowered:
.L_overlay_start_0:
0x88: {  	s2 =	sld [smem:$0x3FD9]  }
0x89: {  	s3 =	sld [smem:$0x3FFE];
	_ =	sdelay $0x1  }
0x8a: {  	s1 =	srdreg.scid  }
0x8b: {  	s0 =	sand.u32 $0x1, s1  }
0x8c: {  	s17 =	sshll.u32 s0, $0xA;
	s2 =	sadd.s32 s3, s2  }
0x8d: {  	s2 =	sadd.s32 s2, s17  }
0x8e: {  	[smem:$0x3FC6] =	sst s2  }
0x8f: {  	_ = 	snop  }
0x90: {  	s2 =	sld [smem:$0x3FC8]  }
0x91: {  	s18 =	sld [smem:$0x3FD0];
	(tm) =	ssettm $0x1  }
0x92: {  	s4 =	sld [smem:$0x3FFB];
	_ =	sdelay $0x3  }
0x93: {  	_ =	strace s4  }
0x94: {  	s4 =	sld [smem:$0x3FFC];
	_ =	sdelay $0x3  }
0x95: {  	_ =	strace s4  }
0x96: {  	s4 =	sld [smem:$0x3FFD];
	_ =	sdelay $0x3  }
0x97: {  	_ =	strace s4  }
0x98: {  	_ =	strace $0x8FFFFFFF  }
0x99: {  	s19 =	sld [smem:$0x3FDB];
	_ =	sdelay $0x1  }
0x9a: {  	s5 =	simm.s32 $_scs_section_size  }
0x9b: {  	s6 =	simm.s32 $_size__tile_overlayer_lowered;
	s7 =	simm.s32 $_tile_overlayer_lowered  }
0x9c: {  	s22 =	simm.s32 $0x1BFF;
	s21 =	sshll.u32 s7, $0x1;
	s4 =	sadd.s32 s5, s19  }
0x9d: {  	s8 =	simm.s32 $0x0;
	s20 =	sshll.u32 s6, $0x1;
	s6 =	sadd.s32 s21, s4  }
0x9e: {  	[timem:s8], [sflag:s22] =	dma.local [hbm:s6], s20  }
0x9f: {  	_ =	swait.ge [sflag:s22], s20  }
0xa0: {  	s5 =	ssub.s32 $0x0, s20;
	[sflag:s22] =	ssyncset.done $0x0  }
0xa1: {  	[sflag:s22] =	ssyncadd.s32 s5;
	_ =	sdelay $0x1  }
0xa2: {  	s23 =	simm.s32 $0x1B8B  }
0xa3: {  	_ =	swait.ge [sflag:s23], $0x1  }
0xa4: {  	[sflag:s23] =	ssyncset.done $0x0  }
0xa5: {  	s25 =	simm.s32 $0x1B8E;
	s24 =	sld [smem:$0x3FFE];
	[sflag:s23] =	ssyncadd.s32 $0xFFFFFFFF  }
0xa6: {  	s26 =	simm.s32 $execute0_lowered;
	[smem:$0x3FD2] =	sst s25  }
0xa7: {  	s6 =	sshll.u32 s26, $0x1;
	_ =	strace $0x80000046;
	[dreg:$0x1] =	wrdreg $0xFFFFFFFF  }
0xa8: {  	s28 =	simm.s32 $_size_execute0_lowered;
	s4 =	sadd.s32 s4, s6;
	[dreg:$0x0] =	wrdreg $0x0  }
0xa9: {  	s6 =	sshll.u32 s28, $0x1;
	[dreg:$0x2] =	wrdreg s4  }
0xaa: {  	[dreg:$0x3] =	wrdreg s6  }
0xab: {  	[dreg:$0x4] =	wrdreg $0xC0  }
0xac: {  	_ =	task [dreg:s8], $0x5FFFF  }
0xad: {  	[dreg:$0x1] =	wrdreg $0xFFFFFFFF  }
0xae: {  	[dreg:$0x0] =	wrdreg $0x60  }
0xaf: {  	[dreg:$0x2] =	wrdreg s2  }
0xb0: {  	[dreg:$0x3] =	wrdreg s24  }
0xb1: {  	[dreg:$0x4] =	wrdreg s18  }
0xb2: {  	[dreg:$0x5] =	wrdreg $0x0  }
0xb3: {  	[dreg:$0x6] =	wrdreg $0x9  }
0xb4: {  	_ =	task.clear_ibuf [dreg:s8], $0x7FFFF;
	_ =	strace $0x90000046  }
0xb5: {  	s29 =	simm.s32 $0x9;
	_ =	strace $0x8000004F  }
0xb6: {  	_ =	swait.ge [sflag:s29], $0x1  }
0xb7: {  	[sflag:s29] =	ssyncadd.s32 $0xFFFFFFFF  }
0xb8: {  	_ =	strace $0x9000004F  }
0xb9: {  	_ =	sfence  }
0xba: {  	s30 =	sld [smem:$0x0];
	_ =	sdelay $0x2  }
0xbb: {  	s31 =	sshll.u32 s1, $0xD;
	s1 =	sshrl.u32 s1, $0x2  }
0xbc: {  	s3 =	sand.u32 $0x4000, s31;
	s1 =	sadd.s32 s1, s30  }
0xbd: {  	s0 =	sor.u32 s3, s0;
	s1 =	sshll.u32 s1, $0x11  }
0xbe: {  	s0 =	sor.u32 s1, s0  }
0xbf: {  	s0 =	sadd.s32 $0x8F2B, s0  }
0xc0: {  	[sflag:s0] =	ssyncadd.remote.s32 $0x1  }
0xc1: {  	_ =	sfence.sel $0xFFFF  }
0xc2: {  	[dreg:$0x0] =	wrdreg $0xFFFFFFFF;
	(pc) =	sbr.abs _section_cstart, $3  }
0xc3: {  	[dreg:$0x1] =	wrdreg $0xFFFFFFFF  }
0xc4: {  	_ =	task.clear_ibuf [dreg:s8], $0x2FFFF;
	_ =	strace $0x9FFFFFFF  }
0xc5: {  	(tm) =	ssettm $0x7FFFFFFF  }
tec
execute0_lowered:
.L_overlay_start_1:
0x0: {  	(tag) =	ssettag $0x1  }
0x1: {  	s4 =	rddreg [dreg:$0x1]  }
0x2: {  	s1 =	rddreg [dreg:$0x2]  }
0x3: {  	s2 =	rddreg [dreg:$0x3]  }
0x4: {  	s3 =	srdreg.scid;
	s8 =	stileid.u32;
	s10 =	simm.s32 $0x1  }
0x5: {  	s11 =	simm.s32 $0x80;
	s12 =	simm.s32 $0x5;
	s5 =	sand.u32 $0x1, s3  }
0x6: {  	s13 =	simm.s32 $0x0;
	[dreg:$0x5] =	wrdreg s1;
	s6 =	sshll.u32 s5, $0x4  }
0x7: {  	s3 =	simm.s32 $0x0;
	s4 =	sadd.s32 $0x400, s4;
	s6 =	sor.u32 s8, s6  }
0x8: {  	[smem:$0x7FF] =	sst s3;
	s5 =	ssub.s32 $0x2, s5;
	s9 =	smul.u32 $0xC80, s6  }
0x9: {  	p0 =	sne.s32 s8, $0x0;
	_ =	strace $0x80000047;
	s7 =	sshrl.u32 s5, $0x1  }
0xa: {  	s8 =	sshrl.u32 @!p0 s2, $0x3;
	s7 =	ssub.s32 s5, s7;
	s0 =	sadd.s32 s4, s9  }
0xb: {  	s5 =	smul.u32 $0x64, s6;
	s7 =	smax.u32 s7, $0x1;
	[dreg:$0x6] =	wrdreg s0  }
.LBB2_1:
0xc: {  	s14 =	simm.s32 @!p0 $0x1C02  }
0xd: {  	s0 =	rddreg [dreg:$0x0];
	s1 =	simm.s32 $0x400;
	s15 =	simm.s32 $0x1  }
0xe: {  	p1 =	por $0x0, $0x0;
	p4 =	por $0x1, $0x1;
	p3 =	por $0x1, $0x1  }
0xf: {  	s19 =	simm.s32 $0x0;
	s22 =	sand.u32 $0x1, s3;
	p5 =	por $0x0, $0x0  }
0x10: {  	[spmem:s8], [sflag:s14] =	dma.local @!p0 [hbm:s0], $0x800  }
0x11: {  	s28 =	simm.s32 $0x1;
	s14 =	simm.s32 @!p0 $0x2;
	s15 =	simm.s32 @p1 $0x0  }
0x12: {  	s26 =	sand.u32 $0x100, s19;
	_ =	swait.ge @!p0 [sflag:s14], $0x800;
	p2 =	sne.s32 s15, $0x0  }
0x13: {  	s30 =	sor.u32 $0x2, s22;
	[sflag:s14] =	ssyncset.done @!p0 $0x0;
	p1 =	por !p4, !p2  }
0x14: {  	s31 =	sshll.u32 s22, $0xF;
	[sflag:s14] =	ssyncadd.s32 @!p0 $0xFFFFF800;
	p1 =	por !p1, !p1  }
0x15: {  	s24 =	sor.u32 $0x600, s31;
	[bflag:$0x0] =	sbarrier.arrive $0xFFFF;
	s16 =	sadd.s32 @p1 s5, s15  }
0x16: {  	s17 =	sand.u32 @p1 $0x1, s10;
	s20 =	simm.s32 @p1 $0x0;
	_ =	strace $0x80000048  }
0x17: {  	s16 =	sshll.u32 @p1 s16, $0x5;
	s18 =	sshll.u32 @p1 s17, $0x8;
	s25 =	rddreg [dreg:$0x6]  }
0x18: {  	[tilespmem:s1], [sflag:$0x2] =	stream.linear.gather [hbm4b:s25+s3], $0x100, $0x200038;
	[tilespmem:$0x10600] =	vst v63  }
0x19: {  	s17 =	sor.u32 @p1 $0x2, s17;
	s16 =	sand.u32 @p1 $0x1FFFFFE0, s16;
	_ =	strace $0x90000048  }
0x1a: {  	s18 =	sor.u32 @p1 $0x400, s18;
	s16 =	sadd.s32 @p1 s4, s16;
	_ =	strace @p1 $0x80000049  }
0x1b: {  	[tilespmem:s18], [sflag:s17] =	stream.linear.gather @p1 [hbm4b:s16+s20], $0x100, $0x200038;
	[tilespmem:$0x10600] =	vst v63  }
0x1c: {  	s21 =	sor.u32 $0x400, s26;
	s19 =	sor.u32 $0x4600, s31;
	_ =	strace @p1 $0x90000049  }
0x1d: {  	p4 =	por $0x0, $0x0;
	s14 =	simm.s32 $0x63;
	_ =	strace $0x8000004A  }
0x1e: {  	p6 =	por p4, p2;
	s25 =	sadd.s32 $0x0, s5;
	_ =	swait.ge [sflag:s30], $0x100  }
0x1f: {  	s28 =	simm.s32 @!p6 $0x0;
	s25 =	sshll.u32 @p6 s25, $0xC;
	[sflag:s30] =	ssyncset.done $0x0  }
0x20: {  	s18 =	simm.s32 $0x1;
	s17 =	simm.s32 $0x62;
	[sflag:s30] =	ssyncadd.s32 $0xFFFFFF00  }
0x21: {  	s20 =	sand.u32 @!p3 $0x1, s3;
	p3 =	por p3, p3;
	_ =	strace $0x9000004A  }
0x22: {  	s16 =	sor.u32 $0x480, s26;
	s18 =	simm.s32 @!p1 $0x0;
	_ =	strace $0x8000004B  }
0x23: {  	[tilespmem:s24], [sflag:$0x1] =	stream.indirect.gather [spmem:s2], $0x80, s21, s11, $0x2000b8;
	[tilespmem:$0x10600] =	vst v63  }
0x24: {  	p1 =	por $0x0, $0x0;
	s23 =	sor.u32 @!p3 $0x4, s20;
	s20 =	simm.s32 $0x0  }
0x25: {  	[tilespmem:s19], [sflag:$0x1] =	stream.indirect.gather [spmem:s2], $0x80, s16, s11, $0x2000b8;
	[tilespmem:$0x10600] =	vst v63  }
0x26: {  	s21 =	sadd.s32 $0x1, s15;
	s16 =	simm.s32 $0x1;
	_ =	swait.ge [sflag:s10], $0x4000  }
0x27: {  	s16 =	simm.s32 @!p5 $0x0;
	p5 =	seq.s32 s21, $0x64;
	[sflag:s10] =	ssyncset.done $0x0  }
0x28: {  	s18 =	sadd.s32 $0x1, s18;
	s21 =	simm.s32 @p5 $0x0;
	[sflag:s10] =	ssyncadd.s32 $0xFFFFC000  }
0x29: {  	p5 =	por $0x1, $0x1;
	p2 =	sne.s32 s15, s21;
	_ =	swait.ge [sflag:s10], $0x4000  }
0x2a: {  	s19 =	sadd.s32 $0x0, s28;
	p4 =	por !p5, !p2;
	[sflag:s10] =	ssyncset.done $0x0  }
0x2b: {  	s16 =	sadd.s32 $0x0, s16;
	p4 =	por !p4, !p4;
	[sflag:s10] =	ssyncadd.s32 $0xFFFFC000  }
0x2c: {  	s26 =	sand.u32 @p4 $0x1, s18;
	s29 =	sadd.s32 @p4 s5, s21;
	_ =	strace $0x9000004B  }
.LBB2_2:
0x2d: {  	s29 =	sshll.u32 @p4 s29, $0x5  }
0x2e: {  	_ =	strace @p6 $0x8000004C;
	s30 =	sand.u32 @p6 $0x1FFFF000, s25;
	s31 =	smov.u32 s15  }
0x2f: {  	s15 =	sshll.u32 @p4 s26, $0x8;
	s9 =	simm.s32 @p6 $0x0;
	s1 =	rddreg [dreg:$0x5]  }
0x30: {  	s0 =	sor.u32 @p4 $0x400, s15;
	s15 =	sor.u32 @p6 $0x4, s22;
	s1 =	sadd.s32 @p6 s1, s30  }
0x31: {  	[hbm4b:s1+s9] =	stream.linear.scatter @p6 [tilespmem:s24], [sflag:s15], $0x8000, $0x200038;
	[tilespmem:$0x10600] =	vst v63  }
0x32: {  	s25 =	smov.u32 s14;
	s14 =	smov.u32 s17;
	_ =	strace @p6 $0x9000004C  }
0x33: {  	s20 =	sadd.s32 s28, s20;
	s28 =	sand.u32 $0x1, s19;
	_ =	strace @!p3 $0x8000004D  }
0x34: {  	s6 =	sshll.u32 s19, $0x8;
	s17 =	sadd.s32 $0xFFFFFFFF, s17;
	_ =	swait.ge @!p3 [sflag:s23], $0x8000  }
0x35: {  	s29 =	sand.u32 @p4 $0x1FFFFFE0, s29;
	s6 =	sand.u32 $0x100, s6;
	[sflag:s23] =	ssyncset.done @!p3 $0x0  }
0x36: {  	p5 =	sne.s32 s17, $0x0;
	s22 =	simm.s32 @p4 $0x0;
	[sflag:s23] =	ssyncadd.s32 @!p3 $0xFFFF8000  }
0x37: {  	s29 =	sadd.s32 @p4 s4, s29;
	s1 =	simm.s32 $0x1;
	_ =	strace @!p3 $0x9000004D  }
0x38: {  	s15 =	smov.u32 s21;
	s9 =	sor.u32 @p4 $0x2, s26;
	_ =	strace @p4 $0x80000049  }
0x39: {  	[tilespmem:s0], [sflag:s9] =	stream.linear.gather @p4 [hbm4b:s29+s22], $0x100, $0x200038;
	[tilespmem:$0x10600] =	vst v63  }
0x3a: {  	s26 =	sor.u32 $0x2, s28;
	s21 =	sadd.s32 $0x1, s21;
	_ =	strace @p4 $0x90000049  }
0x3b: {  	s28 =	simm.s32 $0x1;
	s1 =	simm.s32 @!p4 $0x0;
	_ =	strace $0x8000004A  }
0x3c: {  	p6 =	sne.s32 s25, $0x64;
	s18 =	sadd.s32 s1, s18;
	_ =	swait.ge [sflag:s26], $0x100  }
0x3d: {  	s1 =	sand.u32 @!p1 $0x1, s16;
	p3 =	por p1, p1;
	[sflag:s26] =	ssyncset.done $0x0  }
0x3e: {  	p1 =	seq.s32 s14, $0x64;
	s22 =	sand.u32 $0x1, s20;
	[sflag:s26] =	ssyncadd.s32 $0xFFFFFF00  }
0x3f: {  	s9 =	sadd.s32 s5, s31;
	s30 =	sshll.u32 s22, $0xF;
	_ =	strace $0x9000004A  }
0x40: {  	s31 =	sor.u32 $0x400, s6;
	s24 =	sor.u32 $0x600, s30;
	_ =	strace $0x8000004B  }
0x41: {  	[tilespmem:s24], [sflag:$0x1] =	stream.indirect.gather [spmem:s2], $0x80, s31, s11, $0x2000b8;
	[tilespmem:$0x10600] =	vst v63  }
0x42: {  	s23 =	sor.u32 @!p3 $0x4, s1;
	s6 =	sor.u32 $0x480, s6;
	s0 =	sor.u32 $0x4600, s30  }
0x43: {  	[tilespmem:s0], [sflag:$0x1] =	stream.indirect.gather [spmem:s2], $0x80, s6, s11, $0x2000b8;
	[tilespmem:$0x10600] =	vst v63  }
0x44: {  	p4 =	seq.s32 s25, $0x1;
	s0 =	simm.s32 $0x1;
	_ =	swait.ge [sflag:s10], $0x4000  }
0x45: {  	s0 =	simm.s32 @!p6 $0x0;
	p6 =	seq.s32 s21, $0x64;
	[sflag:s10] =	ssyncset.done $0x0  }
0x46: {  	s16 =	sadd.s32 s0, s16;
	s21 =	simm.s32 @p6 $0x0;
	p6 =	por p4, p2  }
.Ltmp0:
0x47: {  	p4 =	sne.s32 s14, $0x1;
	[sflag:s10] =	ssyncadd.s32 $0xFFFFC000;
	(pc) =	sbr.rel @p5 .LBB2_2-.Ltmp0, $4  }
0x48: {  	p2 =	sne.s32 s15, s21;
	s28 =	simm.s32 @!p6 $0x0;
	_ =	swait.ge [sflag:s10], $0x4000  }
0x49: {  	s25 =	sshll.u32 @p6 s9, $0xC;
	p4 =	por !p4, !p2;
	[sflag:s10] =	ssyncset.done $0x0  }
0x4a: {  	s19 =	sadd.s32 s28, s19;
	p4 =	por !p4, !p4;
	[sflag:s10] =	ssyncadd.s32 $0xFFFFC000  }
0x4b: {  	s26 =	sand.u32 @p4 $0x1, s18;
	s29 =	sadd.s32 @p4 s5, s21;
	_ =	strace $0x9000004B  }
0x4c: {  	_ =	strace @p6 $0x8000004C  }
0x4d: {  	s1 =	sand.u32 @p6 $0x1FFFF000, s25;
	s0 =	rddreg [dreg:$0x5]  }
0x4e: {  	s6 =	simm.s32 @p6 $0x0;
	s9 =	sor.u32 @p6 $0x4, s22;
	s0 =	sadd.s32 @p6 s0, s1  }
0x4f: {  	[hbm4b:s0+s6] =	stream.linear.scatter @p6 [tilespmem:s24], [sflag:s9], $0x8000, $0x200038;
	[tilespmem:$0x10600] =	vst v63  }
0x50: {  	_ =	strace @p6 $0x9000004C  }
0x51: {  	_ =	strace @!p3 $0x8000004D  }
0x52: {  	_ =	swait.ge @!p3 [sflag:s23], $0x8000  }
0x53: {  	s1 =	sshll.u32 @p4 s26, $0x8;
	[sflag:s23] =	ssyncset.done @!p3 $0x0  }
0x54: {  	s0 =	sshll.u32 @p4 s29, $0x5;
	s1 =	sor.u32 @p4 $0x400, s1;
	[sflag:s23] =	ssyncadd.s32 @!p3 $0xFFFF8000  }
0x55: {  	s6 =	sor.u32 @p4 $0x2, s26;
	s0 =	sand.u32 @p4 $0x1FFFFFE0, s0;
	_ =	strace @!p3 $0x9000004D  }
0x56: {  	s9 =	simm.s32 @p4 $0x0;
	s0 =	sadd.s32 @p4 s4, s0;
	_ =	strace @p4 $0x80000049  }
0x57: {  	[tilespmem:s1], [sflag:s6] =	stream.linear.gather @p4 [hbm4b:s0+s9], $0x100, $0x200038;
	[tilespmem:$0x10600] =	vst v63  }
0x58: {  	s26 =	sand.u32 $0x1, s19;
	_ =	strace @p4 $0x90000049  }
0x59: {  	s0 =	sor.u32 $0x2, s26;
	_ =	strace $0x8000004A  }
0x5a: {  	_ =	swait.ge [sflag:s0], $0x100  }
0x5b: {  	s28 =	sadd.s32 s28, s20;
	[sflag:s0] =	ssyncset.done $0x0  }
0x5c: {  	s29 =	sshll.u32 s19, $0x8;
	[sflag:s0] =	ssyncadd.s32 $0xFFFFFF00;
	s0 =	sand.u32 $0x1, s28  }
0x5d: {  	s30 =	sand.u32 $0x100, s29;
	_ =	strace $0x9000004A;
	s31 =	sshll.u32 s0, $0xF  }
0x5e: {  	s17 =	sor.u32 $0x400, s30;
	_ =	strace $0x8000004B;
	s9 =	sor.u32 $0x600, s31  }
0x5f: {  	[tilespmem:s9], [sflag:$0x1] =	stream.indirect.gather [spmem:s2], $0x80, s17, s11, $0x2000b8;
	[tilespmem:$0x10600] =	vst v63  }
0x60: {  	s1 =	sor.u32 $0x480, s30;
	s6 =	sor.u32 $0x4600, s31  }
0x61: {  	[tilespmem:s6], [sflag:$0x1] =	stream.indirect.gather [spmem:s2], $0x80, s1, s11, $0x2000b8;
	[tilespmem:$0x10600] =	vst v63  }
0x62: {  	_ =	swait.ge [sflag:s10], $0x4000  }
0x63: {  	[sflag:s10] =	ssyncset.done $0x0  }
0x64: {  	[sflag:s10] =	ssyncadd.s32 $0xFFFFC000  }
0x65: {  	_ =	swait.ge [sflag:s10], $0x4000  }
0x66: {  	[sflag:s10] =	ssyncset.done $0x0  }
0x67: {  	p6 =	seq.s32 s14, $0x1;
	[sflag:s10] =	ssyncadd.s32 $0xFFFFC000  }
0x68: {  	p2 =	por p6, p2;
	s1 =	sadd.s32 s5, s15;
	_ =	strace $0x9000004B  }
0x69: {  	s1 =	sshll.u32 @p2 s1, $0xC;
	_ =	strace @p2 $0x8000004C  }
0x6a: {  	s1 =	sand.u32 @p2 $0x1FFFF000, s1;
	s6 =	rddreg [dreg:$0x5]  }
0x6b: {  	s14 =	simm.s32 @p2 $0x0;
	s0 =	sor.u32 @p2 $0x4, s0;
	s1 =	sadd.s32 @p2 s6, s1  }
0x6c: {  	[hbm4b:s1+s14] =	stream.linear.scatter @p2 [tilespmem:s9], [sflag:s0], $0x8000, $0x200038;
	[tilespmem:$0x10600] =	vst v63  }
0x6d: {  	s0 =	sand.u32 @!p1 $0x1, s16;
	p1 =	por p1, p1;
	_ =	strace @p2 $0x9000004C  }
0x6e: {  	s0 =	sor.u32 @!p1 $0x4, s0;
	_ =	strace @!p1 $0x8000004D  }
0x6f: {  	_ =	swait.ge @!p1 [sflag:s0], $0x8000  }
0x70: {  	[sflag:s0] =	ssyncset.done @!p1 $0x0  }
0x71: {  	s13 =	sadd.s32 $0x1, s13;
	[sflag:s0] =	ssyncadd.s32 @!p1 $0xFFFF8000  }
0x72: {  	_ =	strace @!p1 $0x9000004D;
	p1 =	sne.s32 s13, s7  }
.Ltmp1:
0x73: {  	_ =	strace $0x8000004E;
	(pc) =	sbr.rel @p1 .LBB2_1-.Ltmp1, $4  }
0x74: {  	_ =	swait.ge [sflag:s12], $0x8000  }
0x75: {  	[sflag:s12] =	ssyncset.done $0x0  }
0x76: {  	[sflag:s12] =	ssyncadd.s32 $0xFFFF8000  }
0x77: {  	_ =	strace $0x9000004E  }
0x78: {  	_ =	sfence.sel $0x180000  }
0x79: {  	[bflag:$0x0] =	sbarrier.arrive $0xFFFF  }
0x7a: {  	_ =	strace $0x90000047  }
0x7b: {  	[bflag:$0x2] =	sbarrier.arrive $0xFFFF  }
0x7c: {  	s0 =	rddreg [dreg:$0x4]  }
0x7d: {  	s0 =	sadd.s32 @!p0 $0x100000, s0  }
0x7e: {  	[sflag:s0] =	ssyncadd.tile.s32 @!p0 $0x1;
	_ =	shalt  }
.Lfunc_end2:
_tile_overlayer_lowered:
.L_overlay_start_2:
0x7f: {  	(tag) =	ssettag $0x2  }
0x80: {  	s0 =	rddreg [dreg:$0x0];
	s2 =	stileid.u32  }
0x81: {  	s1 =	rddreg [dreg:$0x1];
	p0 =	sne.s32 s2, $0x0  }
0x82: {  	s3 =	rddreg [dreg:$0x2];
	[bflag:$0x3] =	sbarrier.arrive $0xFFFF;
	s2 =	simm.s32 @!p0 $0x1C02  }
0x83: {  	[timem:s3], [sflag:s2] =	dma.local @!p0 [hbm:s0], s1  }
0x84: {  	s0 =	simm.s32 @!p0 $0x2  }
0x85: {  	_ =	swait.ge @!p0 [sflag:s0], s1  }
0x86: {  	s1 =	ssub.s32 @!p0 $0x0, s1;
	[sflag:s0] =	ssyncset.done @!p0 $0x0  }
0x87: {  	[sflag:s0] =	ssyncadd.s32 @!p0 s1  }
0x88: {  	[bflag:$0x3] =	sbarrier.arrive $0xFFFF  }
0x89: {  	_ =	shalt  }

</sc_bundles>
